<compile_context>
chip_gen: v7x
topology: tpu7x:2x2x1
jax: 0.10.2.dev20260603
libtpu: 0.0.44.dev20260713+nightly
codegen_flags: <defaults>
</compile_context>

<pallas_src>
import jax
import jax.numpy as jnp
from jax.experimental import pallas as pl
from jax.experimental.pallas import tpu as pltpu

_B = 8192
_D = 64
_NW = 32
_R = 256


def _probe_kernel(cs0_ref, out_ref):
    out_ref[:] = cs0_ref[:]


def kernel(computed_states, indices, symbols, args, W, b):
    del indices, symbols, args, W, b
    cs0 = computed_states[0]
    return pl.pallas_call(
        _probe_kernel,
        grid=(_B // _R,),
        in_specs=[pl.BlockSpec((_R, _D, _NW), lambda i: (i, 0, 0))],
        out_specs=pl.BlockSpec((_R, _D, _NW), lambda i: (i, 0, 0)),
        out_shape=jax.ShapeDtypeStruct((_B, _D, _NW), jnp.float32),
        compiler_params=pltpu.CompilerParams(
            dimension_semantics=("arbitrary",),
        ),
    )(cs0)

# --- scband reference (transcript-rebuilt; emitter-appended) ---
"""Pipeline reference for scband-binary-49950469653358 (READ-ONLY COPY).

The authoritative reference and input builder live on the scoring server;
editing this copy changes nothing except your own understanding.
"""

import jax, jax.numpy as jnp
import numpy as np

N_SYMBOLS = 1024
D_WORLDS = 64
N_WORLDS = 32
BATCH_SIZE = 8192
N_PREV = 2


def setup_inputs(seed: int = 0) -> dict:
    key = jax.random.key(seed)
    k1, k2, k3, k4, k5 = jax.random.split(key, 5)
    computed_states = jax.random.normal(k1, (N_PREV, BATCH_SIZE, D_WORLDS, N_WORLDS), dtype=jnp.float32)
    indices = jnp.arange(BATCH_SIZE, dtype=jnp.int32)
    symbols = jax.random.randint(k2, (BATCH_SIZE,), 0, N_SYMBOLS, dtype=jnp.int32)
    args = jax.random.randint(k3, (BATCH_SIZE, 2), 0, N_PREV, dtype=jnp.int32)
    # learned parameters (orthogonal init approximated with scaled normal for the reference)
    W = jax.random.normal(k4, (N_SYMBOLS, D_WORLDS, 2 * D_WORLDS), dtype=jnp.float32) * (1.0 / np.sqrt(2 * D_WORLDS))
    b = jax.random.normal(k5, (N_SYMBOLS, D_WORLDS), dtype=jnp.float32) * (1.0 / np.sqrt(D_WORLDS))
    return {"computed_states": computed_states, "indices": indices, "symbols": symbols, "args": args, "W": W, "b": b}


def reference(computed_states, indices, symbols, args, W, b):
    # stacked_states = tf.concat(computed_states, axis=0)
    stacked = jnp.concatenate([computed_states[i] for i in range(N_PREV)], axis=0)  # [N_PREV*B, d, n_worlds]
    l_idx = args[:, 0] * BATCH_SIZE + indices
    r_idx = args[:, 1] * BATCH_SIZE + indices
    l = jnp.take(stacked, l_idx, axis=0)  # [B, d, n_worlds]
    r = jnp.take(stacked, r_idx, axis=0)  # [B, d, n_worlds]
    x = jnp.concatenate([l, r], axis=1)   # [B, 2d, n_worlds]
    Wg = jnp.take(W, symbols, axis=0)     # [B, d, 2d]
    bg = jnp.take(b, symbols, axis=0)     # [B, d]
    x_s = jnp.matmul(Wg, x)               # [B, d, n_worlds]
    x_s = x_s + bg[:, :, None]
    # tf.nn.l2_normalize(x, axis=1): x * rsqrt(max(sum(x^2, axis), 1e-12))
    sq = jnp.sum(jnp.square(x_s), axis=1, keepdims=True)
    x_s = x_s * jax.lax.rsqrt(jnp.maximum(sq, 1e-12))
    # tf.scatter_nd sums duplicate indices -> .at[].add
    out = jnp.zeros((BATCH_SIZE, D_WORLDS, N_WORLDS), dtype=x_s.dtype).at[indices].add(x_s)
    return out

if __name__ == "__main__":
    import jax
    _d = setup_inputs()
    print(jax.jit(kernel)(*tuple(_d.values())))

</pallas_src>

<mosaic_0001>
module attributes {stable_mosaic.version = 14 : i64} {
  func.func @_probe_kernel(%arg0: i32, %arg1: memref<256x64x32xf32, #tpu.memory_space<vmem>>, %arg2: memref<256x64x32xf32, #tpu.memory_space<vmem>>) attributes {dimension_semantics = [#tpu.dimension_semantics<arbitrary>], iteration_bounds = array<i64: 32>, scalar_prefetch = 0 : i64, scratch_operands = 0 : i64, tpu.core_type = #tpu.core_type<tc>, window_params = [{transform_indices = @transform_0, window_bounds = array<i64: 256, 64, 32>}, {transform_indices = @transform_1, window_bounds = array<i64: 256, 64, 32>}]} {
    %get3A = arith.constant 0 : index
    %get3A_0 = arith.constant 0 : index
    %get3A_1 = arith.constant 0 : index
    %get3A_2 = vector.load %arg1[%get3A, %get3A_0, %get3A_1] : memref<256x64x32xf32, #tpu.memory_space<vmem>>, vector<256x64x32xf32>
    %swap3A = arith.constant 0 : index
    %swap3A_3 = arith.constant 0 : index
    %swap3A_4 = arith.constant 0 : index
    %swap3A_5 = vector.load %arg2[%swap3A, %swap3A_3, %swap3A_4] : memref<256x64x32xf32, #tpu.memory_space<vmem>>, vector<256x64x32xf32>
    tpu.vector_store %arg2[%swap3A, %swap3A_3, %swap3A_4], %get3A_2 {strides = array<i32>} : memref<256x64x32xf32, #tpu.memory_space<vmem>>, vector<256x64x32xf32>,
    return
  }
  func.func @transform_0(%arg0: i32) -> (i32, i32, i32) {
    %c0_i32 = arith.constant 0 : i32
    %c0_i32_0 = arith.constant 0 : i32
    %c0_i32_1 = arith.constant 0 : i32
    return %arg0, %c0_i32, %c0_i32_0 : i32, i32, i32
  }
  func.func @transform_1(%arg0: i32) -> (i32, i32, i32) {
    %c0_i32 = arith.constant 0 : i32
    %c0_i32_0 = arith.constant 0 : i32
    %c0_i32_1 = arith.constant 0 : i32
    return %arg0, %c0_i32, %c0_i32_0 : i32, i32, i32
  }
}

</mosaic_0001>

<sc_bundles>
// kernel: sparse-core-data-format-call.cloned.1.call-start
scs
called_computation_lowered:
.L_overlay_start_0:
0x0: {  	s2 =	sld [smem:$0x3FD9]  }
0x1: {  	s3 =	sld [smem:$0x3FFE];
	_ =	sdelay $0x1  }
0x2: {  	s1 =	srdreg.scid  }
0x3: {  	s0 =	sand.u32 $0x1, s1  }
0x4: {  	s18 =	sshll.u32 s0, $0xA;
	s2 =	sadd.s32 s3, s2  }
0x5: {  	s2 =	sadd.s32 s2, s18  }
0x6: {  	[smem:$0x3FC7] =	sst s2  }
0x7: {  	_ = 	snop  }
0x8: {  	s2 =	sld [smem:$0x3FD0];
	(tm) =	ssettm $0x1  }
0x9: {  	s19 =	sld [smem:$0x3FFB];
	_ =	sdelay $0x3  }
0xa: {  	_ =	strace s19  }
0xb: {  	s3 =	sld [smem:$0x3FFC];
	_ =	sdelay $0x3  }
0xc: {  	_ =	strace s3  }
0xd: {  	s3 =	sld [smem:$0x3FFD];
	_ =	sdelay $0x3  }
0xe: {  	_ =	strace s3  }
0xf: {  	_ =	strace $0x8FFFFFFF  }
0x10: {  	s20 =	sld [smem:$0x3FDB];
	_ =	sdelay $0x1  }
0x11: {  	s4 =	simm.s32 $_scs_section_size  }
0x12: {  	s5 =	simm.s32 $_size__tile_overlayer_lowered;
	s6 =	simm.s32 $_tile_overlayer_lowered  }
0x13: {  	s23 =	simm.s32 $0x1BFF;
	s22 =	sshll.u32 s6, $0x1;
	s3 =	sadd.s32 s4, s20  }
0x14: {  	s7 =	simm.s32 $0x0;
	s21 =	sshll.u32 s5, $0x1;
	s5 =	sadd.s32 s22, s3  }
0x15: {  	[timem:s7], [sflag:s23] =	dma.local [hbm:s5], s21  }
0x16: {  	_ =	swait.ge [sflag:s23], s21  }
0x17: {  	s4 =	ssub.s32 $0x0, s21;
	[sflag:s23] =	ssyncset.done $0x0  }
0x18: {  	[sflag:s23] =	ssyncadd.s32 s4;
	_ =	sdelay $0x1  }
0x19: {  	s24 =	simm.s32 $0x1B8B  }
0x1a: {  	_ =	swait.ge [sflag:s24], $0x1  }
0x1b: {  	[sflag:s24] =	ssyncset.done $0x0  }
0x1c: {  	s26 =	simm.s32 $0x1B8E;
	s25 =	sld [smem:$0x3FFE];
	[sflag:s24] =	ssyncadd.s32 $0xFFFFFFFF  }
0x1d: {  	s27 =	simm.s32 $execute0_lowered;
	[smem:$0x3FD2] =	sst s26  }
0x1e: {  	s5 =	sshll.u32 s27, $0x1;
	_ =	strace $0x80000046;
	[dreg:$0x1] =	wrdreg $0xFFFFFFFF  }
0x1f: {  	s28 =	simm.s32 $_size_execute0_lowered;
	s3 =	sadd.s32 s3, s5;
	[dreg:$0x0] =	wrdreg $0x0  }
0x20: {  	s5 =	sshll.u32 s28, $0x1;
	[dreg:$0x2] =	wrdreg s3  }
0x21: {  	[dreg:$0x3] =	wrdreg s5  }
0x22: {  	[dreg:$0x4] =	wrdreg $0xC0  }
0x23: {  	_ =	task [dreg:s7], $0x5FFFF  }
0x24: {  	[dreg:$0x1] =	wrdreg $0xFFFFFFFF  }
0x25: {  	[dreg:$0x0] =	wrdreg $0x60  }
0x26: {  	[dreg:$0x2] =	wrdreg s2  }
0x27: {  	[dreg:$0x3] =	wrdreg s25  }
0x28: {  	[dreg:$0x4] =	wrdreg $0x9  }
0x29: {  	_ =	task.clear_ibuf [dreg:s7], $0x5FFFF;
	_ =	strace $0x90000046  }
0x2a: {  	s29 =	simm.s32 $0x9;
	_ =	strace $0x80000048  }
0x2b: {  	_ =	swait.ge [sflag:s29], $0x1  }
0x2c: {  	[sflag:s29] =	ssyncadd.s32 $0xFFFFFFFF  }
0x2d: {  	_ =	strace $0x90000048  }
0x2e: {  	_ =	sfence  }
0x2f: {  	s30 =	sld [smem:$0x0];
	_ =	sdelay $0x2  }
0x30: {  	s31 =	sshll.u32 s1, $0xD;
	s1 =	sshrl.u32 s1, $0x2  }
0x31: {  	s3 =	sand.u32 $0x4000, s31;
	s1 =	sadd.s32 s1, s30  }
0x32: {  	s0 =	sor.u32 s3, s0;
	s1 =	sshll.u32 s1, $0x11  }
0x33: {  	s0 =	sor.u32 s1, s0  }
0x34: {  	s0 =	sadd.s32 $0x8F2B, s0  }
0x35: {  	[sflag:s0] =	ssyncadd.remote.s32 $0x1  }
0x36: {  	_ =	sfence.sel $0xFFFF  }
0x37: {  	[dreg:$0x0] =	wrdreg $0xFFFFFFFF;
	(pc) =	sbr.abs _section_cstart, $3  }
0x38: {  	[dreg:$0x1] =	wrdreg $0xFFFFFFFF  }
0x39: {  	_ =	task.clear_ibuf [dreg:s7], $0x2FFFF;
	_ =	strace $0x9FFFFFFF  }
0x3a: {  	(tm) =	ssettm $0x7FFFFFFF  }
0x3b: {  	_ =	shalt  }
tec
execute0_lowered:
.L_overlay_start_1:
0x0: {  	(tag) =	ssettag $0x1  }
0x1: {  	s2 =	rddreg [dreg:$0x0]  }
0x2: {  	s1 =	rddreg [dreg:$0x1]  }
0x3: {  	s0 =	rddreg [dreg:$0x2]  }
0x4: {  	s4 =	srdreg.scid;
	_ =	strace $0x80000047;
	s6 =	simm.s32 $0x2  }
0x5: {  	s12 =	simm.s32 $0x0;
	p0 =	por $0x0, $0x0;
	s11 =	simm.s32 $0x0  }
.Ltmp0:
0x6: {  	s13 =	simm.s32 $0x0;
	s8 =	simm.s32 $0x0;
	(pc) =	sbr.rel .LBB1_1-.Ltmp0, $4  }
0x7: {  	s9 =	simm.s32 $0x0;
	s3 =	sadd.s32 $0x400, s1;
	s4 =	sshll.u32 s4, $0x4  }
0x8: {  	s1 =	stileid.u32;
	s5 =	sand.u32 $0x10, s4;
	s4 =	simm.s32 $0x1  }
0x9: {  	s7 =	simm.s32 $0x0;
	s5 =	sor.u32 s1, s5;
	[sflag:s4] =	ssyncpa.u1 $0x0  }
0xa: {  	[sflag:s6] =	ssyncpa.u1 $0x0;
	s6 =	simm.s32 $0x2000;
	s10 =	smov.u32 s5  }
.LBB1_5:
0xb: {  	s14 =	sadd.s32 $0x200, s8  }
0xc: {  	s11 =	sadd.s32 $0x20, s9;
	s15 =	smov.u32 s9;
	p2 =	sgt.s32 s14, $0x1FFF  }
0xd: {  	s15 =	smov.u32 @p2 s11  }
0xe: {  	s17 =	smov.u32 s10;
	s11 =	sadd.s32 $0x20, s10;
	p3 =	sgt.s32 s15, $0x1F  }
0xf: {  	p1 =	slt.u32 s7, $0x2;
	s17 =	smov.u32 @p3 s11  }
0x10: {  	s7 =	sadd.s32 $0x1, s7;
	s14 =	simm.s32 @p2 $0x0;
	p2 =	sgt.s32 s17, $0x3F  }
0x11: {  	s17 =	smov.u32 @p2 s5;
	p2 =	sne.s32 s7, $0x22  }
.Ltmp1:
0x12: {  	s16 =	simm.s32 @!p1 $0x2;
	(pc) =	sbr.rel @!p2 .LBB1_6-.Ltmp1, $4  }
0x13: {  	s12 =	smov.u32 s8;
	_ =	swait.ge @!p1 [sflag:s16], $0x4000  }
0x14: {  	s13 =	smov.u32 s10;
	p0 =	por !p0, !p0;
	[sflag:s16] =	ssyncset.done @!p1 $0x0  }
0x15: {  	s8 =	smov.u32 s14;
	s15 =	simm.s32 @p3 $0x0;
	s11 =	smov.u32 s9  }
0x16: {  	[sflag:s16] =	ssyncadd.s32 @!p1 $0xFFFFC000;
	s9 =	smov.u32 s15;
	s10 =	smov.u32 s17  }
.LBB1_1:
0x17: {  	p1 =	sgt.u32 s7, $0x1F  }
0x18: {  	s14 =	sxor.u32 @!p1 $0xFFFFFFFF, s7;
	s15 =	sand.u32 @!p1 $0x78, s8;
	s16 =	sshll.u32 @!p1 s9, $0xD  }
0x19: {  	s17 =	sshll.u32 @!p1 s9, $0x7;
	s18 =	sshll.u32 @!p1 s8, $0x3;
	s14 =	sshll.u32 @!p1 s14, $0xE  }
0x1a: {  	s16 =	sand.u32 @!p1 $0x30000, s16;
	s17 =	sand.u32 @!p1 $0x380, s17;
	s14 =	sand.u32 @!p1 $0x4000, s14  }
0x1b: {  	s16 =	sadd.s32 @!p1 s16, s18;
	s18 =	sand.u32 @!p1 $0x1C00, s18;
	s15 =	sor.u32 @!p1 s17, s15  }
0x1c: {  	s17 =	sshll.u32 @!p1 s10, $0xF;
	s15 =	sor.u32 @!p1 s18, s15;
	s16 =	sshrl.u32 @!p1 s16, $0x3  }
0x1d: {  	s17 =	sadd.s32 @!p1 s2, s17;
	s18 =	sand.u32 @!p1 $0x7, s8;
	s16 =	sand.u32 @!p1 $0x7C00, s16  }
0x1e: {  	s15 =	sshrl.u32 @!p1 s15, $0x3;
	s16 =	sadd.s32 @!p1 s16, s17;
	s17 =	sshll.u32 @!p1 s18, $0x12  }
0x1f: {  	s15 =	sadd.s32 @!p1 s15, s16;
	s16 =	sor.u32 @!p1 $0x1000, s17;
	s17 =	simm.s32 @!p1 $0x10000  }
0x20: {  	[tilespmem:s14], [sflag:$0x1] =	stream.strided.gather @!p1 [hbm4b:s15+s16], $0x4000, s17, s16, $0x38;
	[tilespmem:$0x10400] =	vst v63  }
0x21: {  	p1 =	seq.s32 s7, $0x0  }
0x22: {  	p2 =	seq.s32 @!p1 s7, $0x21  }
0x23: {  	p1 =	por p1, p2  }
.Ltmp2:
0x24: {  	_ = 	snop;
	(pc) =	sbr.rel @p1 .LBB1_5-.Ltmp2, $1  }
0x25: {  	_ =	sdelay $0x3  }
0x26: {  	s17 =	simm.s32 $0x0  }
0x27: {  	s16 =	sand.u32 $0x3000, s17;
	s18 =	sand.u32 $0x380, s17  }
0x28: {  	s14 =	sand.u32 $0x1, s7;
	s16 =	sor.u32 s18, s16  }
0x29: {  	_ =	swait.ge [sflag:s4], $0x4000;
	s15 =	sshll.u32 s14, $0xE;
	s18 =	sand.u32 $0x3200, s16  }
0x2a: {  	[sflag:s4] =	ssyncset.done $0x0;
	s17 =	sand.u32 $0x180, s17;
	s18 =	sadd.s32 s18, s15  }
0x2b: {  	[sflag:s4] =	ssyncadd.s32 $0xFFFFC000;
	s20 =	sadd.s32 s17, s18  }
0x2c: {  	v4 =	vld [tilespmem:s20+$0xC00]  }
0x2d: {  	s19 =	simm.s32 $0x1;
	v0 =	vmov s15;
	v5 =	vld [tilespmem:s20+$0x0]  }
0x2e: {  	s19 =	simm.s32 @!p0 $0x0;
	v6 =	vld [tilespmem:s20+$0x10]  }
0x2f: {  	s31 =	smul.u32 $0x10800, s19;
	v7 =	vld [tilespmem:s20+$0x20]  }
0x30: {  	v8 =	vld [tilespmem:s20+$0x30]  }
0x31: {  	s17 =	sshrl.u32 s31, $0x2;
	v9 =	vld [tilespmem:s20+$0x40]  }
0x32: {  	s17 =	sor.u32 $0x8000, s17;
	v1 =	vld.idx.msk [tilespmem:v0+s16+$0x410 ss:$0x1], $0xffff  }
0x33: {  	v2 =	vld.idx.msk [tilespmem:v0+s16+$0x420 ss:$0x1], $0xffff;
	s18 =	sadd.s32 $0x0, s17  }
0x34: {  	v3 =	vld.idx.msk [tilespmem:v0+s16+$0x430 ss:$0x1], $0xffff;
	[tilespmem:s18+$0x3180 ss:$0x21] =	vst.msk $0xffff, v4  }
0x35: {  	v10 =	vld.idx.msk [tilespmem:v0+s16+$0x820 ss:$0x1], $0xffff;
	[tilespmem:s18+$0x0 ss:$0x21] =	vst.msk $0xffff, v5  }
0x36: {  	v11 =	vld.idx.msk [tilespmem:v0+s16+$0x830 ss:$0x1], $0xffff;
	[tilespmem:s18+$0x210 ss:$0x21] =	vst.msk $0xffff, v6  }
0x37: {  	v12 =	vld.idx.msk [tilespmem:v0+s16+$0x840 ss:$0x1], $0xffff;
	[tilespmem:s18+$0x420 ss:$0x21] =	vst.msk $0xffff, v7  }
0x38: {  	v13 =	vld.idx.msk [tilespmem:v0+s16+$0x850 ss:$0x1], $0xffff;
	[tilespmem:s18+$0x630 ss:$0x21] =	vst.msk $0xffff, v8  }
0x39: {  	v4 =	vld [tilespmem:s20+$0x50];
	[tilespmem:s18+$0x840 ss:$0x21] =	vst.msk $0xffff, v9  }
0x3a: {  	v5 =	vld [tilespmem:s20+$0x60];
	[tilespmem:s18+$0x1290 ss:$0x21] =	vst.msk $0xffff, v1  }
0x3b: {  	v6 =	vld [tilespmem:s20+$0x70];
	[tilespmem:s18+$0x14A0 ss:$0x21] =	vst.msk $0xffff, v2  }
0x3c: {  	v7 =	vld [tilespmem:s20+$0x400];
	[tilespmem:s18+$0x16B0 ss:$0x21] =	vst.msk $0xffff, v3  }
0x3d: {  	v8 =	vld [tilespmem:s20+$0x800];
	[tilespmem:s18+$0x2520 ss:$0x21] =	vst.msk $0xffff, v10  }
0x3e: {  	v9 =	vld.idx.msk [tilespmem:v0+s16+$0x470 ss:$0x1], $0xffff;
	[tilespmem:s18+$0x2730 ss:$0x21] =	vst.msk $0xffff, v11  }
0x3f: {  	v3 =	vld.idx.msk [tilespmem:v0+s16+$0xC10 ss:$0x1], $0xffff;
	[tilespmem:s18+$0x2940 ss:$0x21] =	vst.msk $0xffff, v12  }
0x40: {  	v1 =	vld.idx.msk [tilespmem:v0+s16+$0xC20 ss:$0x1], $0xffff;
	[tilespmem:s18+$0x2B50 ss:$0x21] =	vst.msk $0xffff, v13  }
0x41: {  	v2 =	vld.idx.msk [tilespmem:v0+s16+$0xC30 ss:$0x1], $0xffff;
	[tilespmem:s18+$0xA50 ss:$0x21] =	vst.msk $0xffff, v4  }
0x42: {  	[tilespmem:s18+$0xE70 ss:$0x21] =	vst.msk $0xffff, v6;
	v6 =	vld.idx.msk [tilespmem:v0+s16+$0x460 ss:$0x1], $0xffff  }
0x43: {  	v4 =	vld.idx.msk [tilespmem:v0+s16+$0x440 ss:$0x1], $0xffff;
	[tilespmem:s18+$0xC60 ss:$0x21] =	vst.msk $0xffff, v5  }
0x44: {  	v5 =	vld.idx.msk [tilespmem:v0+s16+$0x450 ss:$0x1], $0xffff;
	[tilespmem:s18+$0x1080 ss:$0x21] =	vst.msk $0xffff, v7  }
0x45: {  	[tilespmem:s18+$0x2100 ss:$0x21] =	vst.msk $0xffff, v8;
	v8 =	vld.idx.msk [tilespmem:v0+s16+$0x810 ss:$0x1], $0xffff  }
0x46: {  	v7 =	vld.idx.msk [tilespmem:v0+s16+$0x860 ss:$0x1], $0xffff;
	[tilespmem:s18+$0x1EF0 ss:$0x21] =	vst.msk $0xffff, v9  }
0x47: {  	s14 =	smul.u32 $0x10800, s14;
	[tilespmem:s18+$0x1CE0 ss:$0x21] =	vst.msk $0xffff, v6;
	v6 =	vld.idx.msk [tilespmem:v0+s16+$0x870 ss:$0x1], $0xffff  }
0x48: {  	s21 =	simm.s32 $0x200;
	s22 =	simm.s32 $0x8;
	[tilespmem:s18+$0x18C0 ss:$0x21] =	vst.msk $0xffff, v4;
	v4 =	vld.idx.msk [tilespmem:v0+s16+$0xC40 ss:$0x1], $0xffff  }
0x49: {  	s23 =	sand.u32 $0x3000, s21;
	s14 =	sshrl.u32 s14, $0x2;
	s20 =	simm.s32 $0x80;
	[tilespmem:s18+$0x1AD0 ss:$0x21] =	vst.msk $0xffff, v5;
	v5 =	vld.idx.msk [tilespmem:v0+s16+$0xC50 ss:$0x1], $0xffff  }
0x4a: {  	s19 =	simm.s32 $0x4;
	s14 =	sor.u32 $0x8000, s14;
	s24 =	sand.u32 $0x380, s20;
	[tilespmem:s18+$0x2310 ss:$0x21] =	vst.msk $0xffff, v8;
	v8 =	vld.idx.msk [tilespmem:v0+s16+$0xC60 ss:$0x1], $0xffff  }
.LBB1_3:
0x4b: {  	p1 =	sne.s32 s22, $0x7C;
	[tilespmem:s18+$0x2D60 ss:$0x21] =	vst.msk $0xffff, v7;
	v7 =	vld.idx.msk [tilespmem:v0+s16+$0xC70 ss:$0x1], $0xffff;
	s16 =	sor.u32 s24, s23  }
0x4c: {  	s23 =	sand.u32 $0x3200, s16;
	v9 =	vld.idx.msk [tilespmem:v0+s16+$0x410 ss:$0x1], $0xffff;
	[tilespmem:s18+$0x2F70 ss:$0x21] =	vst.msk $0xffff, v6  }
0x4d: {  	s24 =	sand.u32 $0x180, s20;
	s23 =	sadd.s32 s23, s15;
	v6 =	vld.idx.msk [tilespmem:v0+s16+$0x420 ss:$0x1], $0xffff;
	[tilespmem:s18+$0x3390 ss:$0x21] =	vst.msk $0xffff, v3  }
0x4e: {  	s23 =	sadd.s32 s24, s23;
	v3 =	vld.idx.msk [tilespmem:v0+s16+$0x430 ss:$0x1], $0xffff;
	[tilespmem:s18+$0x35A0 ss:$0x21] =	vst.msk $0xffff, v1  }
0x4f: {  	v1 =	vld [tilespmem:s23+$0xC00];
	[tilespmem:s18+$0x37B0 ss:$0x21] =	vst.msk $0xffff, v2  }
0x50: {  	v2 =	vld [tilespmem:s23+$0x0];
	[tilespmem:s18+$0x39C0 ss:$0x21] =	vst.msk $0xffff, v4  }
0x51: {  	v4 =	vld [tilespmem:s23+$0x10];
	[tilespmem:s18+$0x3BD0 ss:$0x21] =	vst.msk $0xffff, v5  }
0x52: {  	s24 =	sshra.s32 s19, $0x2;
	s19 =	smov.u32 s22;
	v5 =	vld [tilespmem:s23+$0x20];
	[tilespmem:s18+$0x3DE0 ss:$0x21] =	vst.msk $0xffff, v8  }
0x53: {  	v8 =	vld [tilespmem:s23+$0x30];
	[tilespmem:s18+$0x3FF0 ss:$0x21] =	vst.msk $0xffff, v7;
	s18 =	sadd.s32 s24, s17  }
0x54: {  	v7 =	vld [tilespmem:s23+$0x40];
	[tilespmem:s18+$0x3180 ss:$0x21] =	vst.msk $0xffff, v1  }
0x55: {  	[tilespmem:s18+$0x0 ss:$0x21] =	vst.msk $0xffff, v2;
	v1 =	vld [tilespmem:s23+$0x50]  }
0x56: {  	[tilespmem:s18+$0x210 ss:$0x21] =	vst.msk $0xffff, v4;
	v2 =	vld [tilespmem:s23+$0x60]  }
0x57: {  	[tilespmem:s18+$0x420 ss:$0x21] =	vst.msk $0xffff, v5;
	v4 =	vld [tilespmem:s23+$0x70]  }
0x58: {  	[tilespmem:s18+$0x630 ss:$0x21] =	vst.msk $0xffff, v8;
	v5 =	vld [tilespmem:s23+$0x400]  }
0x59: {  	[tilespmem:s18+$0x840 ss:$0x21] =	vst.msk $0xffff, v7;
	v7 =	vld [tilespmem:s23+$0x800]  }
0x5a: {  	[tilespmem:s18+$0xA50 ss:$0x21] =	vst.msk $0xffff, v1;
	v1 =	vld.idx.msk [tilespmem:v0+s16+$0x440 ss:$0x1], $0xffff  }
0x5b: {  	[tilespmem:s18+$0xC60 ss:$0x21] =	vst.msk $0xffff, v2;
	v2 =	vld.idx.msk [tilespmem:v0+s16+$0x450 ss:$0x1], $0xffff  }
0x5c: {  	[tilespmem:s18+$0xE70 ss:$0x21] =	vst.msk $0xffff, v4;
	v4 =	vld.idx.msk [tilespmem:v0+s16+$0x460 ss:$0x1], $0xffff  }
0x5d: {  	[tilespmem:s18+$0x1080 ss:$0x21] =	vst.msk $0xffff, v5;
	v5 =	vld.idx.msk [tilespmem:v0+s16+$0x470 ss:$0x1], $0xffff  }
0x5e: {  	[tilespmem:s18+$0x2100 ss:$0x21] =	vst.msk $0xffff, v7;
	v8 =	vld.idx.msk [tilespmem:v0+s16+$0x810 ss:$0x1], $0xffff  }
0x5f: {  	[tilespmem:s18+$0x1290 ss:$0x21] =	vst.msk $0xffff, v9;
	v9 =	vld.idx.msk [tilespmem:v0+s16+$0x820 ss:$0x1], $0xffff  }
0x60: {  	[tilespmem:s18+$0x14A0 ss:$0x21] =	vst.msk $0xffff, v6;
	v10 =	vld.idx.msk [tilespmem:v0+s16+$0x830 ss:$0x1], $0xffff  }
0x61: {  	[tilespmem:s18+$0x16B0 ss:$0x21] =	vst.msk $0xffff, v3;
	v11 =	vld.idx.msk [tilespmem:v0+s16+$0x840 ss:$0x1], $0xffff  }
0x62: {  	[tilespmem:s18+$0x18C0 ss:$0x21] =	vst.msk $0xffff, v1;
	v12 =	vld.idx.msk [tilespmem:v0+s16+$0x850 ss:$0x1], $0xffff  }
0x63: {  	[tilespmem:s18+$0x1AD0 ss:$0x21] =	vst.msk $0xffff, v2;
	v7 =	vld.idx.msk [tilespmem:v0+s16+$0x860 ss:$0x1], $0xffff  }
0x64: {  	[tilespmem:s18+$0x1CE0 ss:$0x21] =	vst.msk $0xffff, v4;
	v6 =	vld.idx.msk [tilespmem:v0+s16+$0x870 ss:$0x1], $0xffff  }
0x65: {  	[tilespmem:s18+$0x1EF0 ss:$0x21] =	vst.msk $0xffff, v5;
	v3 =	vld.idx.msk [tilespmem:v0+s16+$0xC10 ss:$0x1], $0xffff  }
.Ltmp3:
0x66: {  	[tilespmem:s18+$0x2310 ss:$0x21] =	vst.msk $0xffff, v8;
	v1 =	vld.idx.msk [tilespmem:v0+s16+$0xC20 ss:$0x1], $0xffff;
	(pc) =	sbr.rel @p1 .LBB1_3-.Ltmp3, $4  }
0x67: {  	[tilespmem:s18+$0x2520 ss:$0x21] =	vst.msk $0xffff, v9;
	v2 =	vld.idx.msk [tilespmem:v0+s16+$0xC30 ss:$0x1], $0xffff  }
0x68: {  	[tilespmem:s18+$0x2730 ss:$0x21] =	vst.msk $0xffff, v10;
	v4 =	vld.idx.msk [tilespmem:v0+s16+$0xC40 ss:$0x1], $0xffff  }
0x69: {  	s20 =	sadd.s32 $0x80, s20;
	s21 =	sadd.s32 $0x200, s21;
	[tilespmem:s18+$0x2940 ss:$0x21] =	vst.msk $0xffff, v11;
	v5 =	vld.idx.msk [tilespmem:v0+s16+$0xC50 ss:$0x1], $0xffff  }
0x6a: {  	s22 =	sadd.s32 $0x4, s22;
	s24 =	sand.u32 $0x380, s20;
	s23 =	sand.u32 $0x3000, s21;
	[tilespmem:s18+$0x2B50 ss:$0x21] =	vst.msk $0xffff, v12;
	v8 =	vld.idx.msk [tilespmem:v0+s16+$0xC60 ss:$0x1], $0xffff  }
0x6b: {  	_ = 	snop  }
0x6c: {  	[tilespmem:s18+$0x2D60 ss:$0x21] =	vst.msk $0xffff, v7  }
0x6d: {  	[tilespmem:s18+$0x2F70 ss:$0x21] =	vst.msk $0xffff, v6  }
0x6e: {  	[tilespmem:s18+$0x3390 ss:$0x21] =	vst.msk $0xffff, v3  }
0x6f: {  	s21 =	sor.u32 s24, s23;
	v31 =	vld.idx.msk [tilespmem:v0+s16+$0xC70 ss:$0x1], $0xffff;
	[tilespmem:s18+$0x35A0 ss:$0x21] =	vst.msk $0xffff, v1  }
0x70: {  	[tilespmem:s18+$0x37B0 ss:$0x21] =	vst.msk $0xffff, v2;
	v43 =	vld.idx.msk [tilespmem:v0+s21+$0x410 ss:$0x1], $0xffff  }
0x71: {  	v44 =	vld.idx.msk [tilespmem:v0+s21+$0x420 ss:$0x1], $0xffff;
	[tilespmem:s18+$0x39C0 ss:$0x21] =	vst.msk $0xffff, v4  }
0x72: {  	s22 =	sand.u32 $0x3200, s21;
	v45 =	vld.idx.msk [tilespmem:v0+s21+$0x430 ss:$0x1], $0xffff;
	[tilespmem:s18+$0x3BD0 ss:$0x21] =	vst.msk $0xffff, v5  }
0x73: {  	s20 =	sand.u32 $0x180, s20;
	s27 =	sshra.s32 s19, $0x2;
	v46 =	vld.idx.msk [tilespmem:v0+s21+$0x440 ss:$0x1], $0xffff;
	s15 =	sadd.s32 s22, s15;
	[tilespmem:s18+$0x3DE0 ss:$0x21] =	vst.msk $0xffff, v8  }
0x74: {  	v47 =	vld.idx.msk [tilespmem:v0+s21+$0x450 ss:$0x1], $0xffff;
	s26 =	sadd.s32 s20, s15;
	s15 =	sadd.s32 s27, s17;
	[tilespmem:s18+$0x3FF0 ss:$0x21] =	vst.msk $0xffff, v31  }
0x75: {  	v48 =	vld.idx.msk [tilespmem:v0+s21+$0x460 ss:$0x1], $0xffff;
	[tilespmem:s15+$0x1290 ss:$0x21] =	vst.msk $0xffff, v43  }
0x76: {  	v49 =	vld.idx.msk [tilespmem:v0+s21+$0x470 ss:$0x1], $0xffff;
	[tilespmem:s15+$0x14A0 ss:$0x21] =	vst.msk $0xffff, v44  }
0x77: {  	v50 =	vld.idx.msk [tilespmem:v0+s21+$0x810 ss:$0x1], $0xffff;
	[tilespmem:s15+$0x16B0 ss:$0x21] =	vst.msk $0xffff, v45  }
0x78: {  	v51 =	vld.idx.msk [tilespmem:v0+s21+$0x820 ss:$0x1], $0xffff;
	[tilespmem:s15+$0x18C0 ss:$0x21] =	vst.msk $0xffff, v46  }
0x79: {  	v52 =	vld.idx.msk [tilespmem:v0+s21+$0x830 ss:$0x1], $0xffff;
	[tilespmem:s15+$0x1AD0 ss:$0x21] =	vst.msk $0xffff, v47  }
0x7a: {  	v53 =	vld.idx.msk [tilespmem:v0+s21+$0x840 ss:$0x1], $0xffff;
	[tilespmem:s15+$0x1CE0 ss:$0x21] =	vst.msk $0xffff, v48  }
0x7b: {  	v54 =	vld.idx.msk [tilespmem:v0+s21+$0x850 ss:$0x1], $0xffff;
	[tilespmem:s15+$0x1EF0 ss:$0x21] =	vst.msk $0xffff, v49  }
0x7c: {  	v55 =	vld.idx.msk [tilespmem:v0+s21+$0x860 ss:$0x1], $0xffff;
	[tilespmem:s15+$0x2310 ss:$0x21] =	vst.msk $0xffff, v50  }
0x7d: {  	v56 =	vld.idx.msk [tilespmem:v0+s21+$0x870 ss:$0x1], $0xffff;
	[tilespmem:s15+$0x2520 ss:$0x21] =	vst.msk $0xffff, v51  }
0x7e: {  	v57 =	vld.idx.msk [tilespmem:v0+s21+$0xC10 ss:$0x1], $0xffff;
	[tilespmem:s15+$0x2730 ss:$0x21] =	vst.msk $0xffff, v52  }
0x7f: {  	v58 =	vld.idx.msk [tilespmem:v0+s21+$0xC20 ss:$0x1], $0xffff;
	[tilespmem:s15+$0x2940 ss:$0x21] =	vst.msk $0xffff, v53  }
0x80: {  	v59 =	vld.idx.msk [tilespmem:v0+s21+$0xC30 ss:$0x1], $0xffff;
	[tilespmem:s15+$0x2B50 ss:$0x21] =	vst.msk $0xffff, v54  }
0x81: {  	v60 =	vld.idx.msk [tilespmem:v0+s21+$0xC40 ss:$0x1], $0xffff;
	[tilespmem:s15+$0x2D60 ss:$0x21] =	vst.msk $0xffff, v55  }
0x82: {  	v61 =	vld.idx.msk [tilespmem:v0+s21+$0xC50 ss:$0x1], $0xffff;
	[tilespmem:s15+$0x2F70 ss:$0x21] =	vst.msk $0xffff, v56  }
0x83: {  	v62 =	vld.idx.msk [tilespmem:v0+s21+$0xC60 ss:$0x1], $0xffff;
	[tilespmem:s15+$0x3390 ss:$0x21] =	vst.msk $0xffff, v57  }
0x84: {  	v63 =	vld.idx.msk [tilespmem:v0+s21+$0xC70 ss:$0x1], $0xffff;
	[tilespmem:s15+$0x35A0 ss:$0x21] =	vst.msk $0xffff, v58  }
0x85: {  	v32 =	vld [tilespmem:s26+$0xC00];
	[tilespmem:s15+$0x37B0 ss:$0x21] =	vst.msk $0xffff, v59  }
0x86: {  	v33 =	vld [tilespmem:s26+$0x0];
	[tilespmem:s15+$0x39C0 ss:$0x21] =	vst.msk $0xffff, v60  }
0x87: {  	v34 =	vld [tilespmem:s26+$0x10];
	[tilespmem:s15+$0x3BD0 ss:$0x21] =	vst.msk $0xffff, v61  }
0x88: {  	v35 =	vld [tilespmem:s26+$0x20];
	[tilespmem:s15+$0x3DE0 ss:$0x21] =	vst.msk $0xffff, v62  }
0x89: {  	v36 =	vld [tilespmem:s26+$0x30];
	[tilespmem:s15+$0x3FF0 ss:$0x21] =	vst.msk $0xffff, v63  }
0x8a: {  	v37 =	vld [tilespmem:s26+$0x40];
	[tilespmem:s15+$0x3180 ss:$0x21] =	vst.msk $0xffff, v32  }
0x8b: {  	v38 =	vld [tilespmem:s26+$0x50];
	[tilespmem:s15+$0x0 ss:$0x21] =	vst.msk $0xffff, v33  }
0x8c: {  	v39 =	vld [tilespmem:s26+$0x60];
	[tilespmem:s15+$0x210 ss:$0x21] =	vst.msk $0xffff, v34  }
0x8d: {  	v40 =	vld [tilespmem:s26+$0x70];
	[tilespmem:s15+$0x420 ss:$0x21] =	vst.msk $0xffff, v35  }
0x8e: {  	s13 =	sshll.u32 s13, $0x7;
	s28 =	sshll.u32 s11, $0x3;
	v41 =	vld [tilespmem:s26+$0x400];
	[tilespmem:s15+$0x630 ss:$0x21] =	vst.msk $0xffff, v36  }
0x8f: {  	s12 =	sshll.u32 s12, $0xA;
	s29 =	sand.u32 $0x1C00, s13;
	s16 =	sand.u32 $0x1C00, s28;
	v42 =	vld [tilespmem:s26+$0x800];
	[tilespmem:s15+$0x840 ss:$0x21] =	vst.msk $0xffff, v37  }
0x90: {  	s30 =	sshrl.u32 s11, $0x3;
	s13 =	sand.u32 $0x380, s13;
	s16 =	sadd.s32 s29, s16;
	[tilespmem:s15+$0xA50 ss:$0x21] =	vst.msk $0xffff, v38  }
.Ltmp4:
0x91: {  	s31 =	sand.u32 $0x7, s11;
	s13 =	sor.u32 s13, s16;
	[tilespmem:s15+$0xC60 ss:$0x21] =	vst.msk $0xffff, v39;
	(pc) =	sbr.rel .LBB1_5-.Ltmp4, $4  }
0x92: {  	s12 =	sadd.s32 s3, s12;
	s16 =	sand.u32 $0xF, s30;
	s13 =	sshrl.u32 s13, $0x3;
	[tilespmem:s15+$0xE70 ss:$0x21] =	vst.msk $0xffff, v40  }
0x93: {  	s11 =	sshll.u32 s31, $0x12;
	s12 =	sadd.s32 s16, s12;
	s13 =	sand.u32 $0x3F0, s13;
	[tilespmem:s15+$0x1080 ss:$0x21] =	vst.msk $0xffff, v41  }
0x94: {  	s11 =	sor.u32 $0x20, s11;
	s12 =	sadd.s32 s13, s12;
	[tilespmem:s15+$0x2100 ss:$0x21] =	vst.msk $0xffff, v42  }
0x95: {  	[hbm4b:s12+s11] =	stream.strided.scatter [tilespmem:s14], [sflag:$0x2], $0x4000, s6, s11, $0x10;
	[tilespmem:$0x10400] =	vst v63  }
.LBB1_6:
0x96: {  	_ =	sfence.sel $0x180000  }
0x97: {  	s2 =	simm.s32 $0x1;
	[bflag:$0x0] =	sbarrier.arrive $0xFFFF  }
0x98: {  	s31 =	simm.s32 $0x2;
	[sflag:s2] =	ssyncpa.u1 $0x1  }
0x99: {  	[sflag:s31] =	ssyncpa.u1 $0x1  }
0x9a: {  	p0 =	sne.s32 s1, $0x0;
	_ =	strace $0x90000047  }
0x9b: {  	s0 =	sadd.s32 @!p0 $0x100000, s0;
	[bflag:$0x2] =	sbarrier.arrive $0xFFFF  }
0x9c: {  	[sflag:s0] =	ssyncadd.tile.s32 @!p0 $0x1;
	_ =	shalt  }
.Lfunc_end1:
_tile_overlayer_lowered:
.L_overlay_start_2:
0x9d: {  	(tag) =	ssettag $0x2  }
0x9e: {  	s0 =	rddreg [dreg:$0x0];
	s2 =	stileid.u32  }
0x9f: {  	s1 =	rddreg [dreg:$0x1];
	p0 =	sne.s32 s2, $0x0  }
0xa0: {  	s3 =	rddreg [dreg:$0x2];
	[bflag:$0x3] =	sbarrier.arrive $0xFFFF;
	s2 =	simm.s32 @!p0 $0x1C01  }
0xa1: {  	[timem:s3], [sflag:s2] =	dma.local @!p0 [hbm:s0], s1  }
0xa2: {  	s0 =	simm.s32 @!p0 $0x1  }
0xa3: {  	_ =	swait.ge @!p0 [sflag:s0], s1  }
0xa4: {  	s1 =	ssub.s32 @!p0 $0x0, s1;
	[sflag:s0] =	ssyncset.done @!p0 $0x0  }
0xa5: {  	[sflag:s0] =	ssyncadd.s32 @!p0 s1  }
0xa6: {  	[bflag:$0x3] =	sbarrier.arrive $0xFFFF  }
0xa7: {  	_ =	shalt  }

</sc_bundles>
